<compile_context>
chip_gen: v7x
topology: tpu7x:2x2x1
jax: 0.10.2.dev20260603
libtpu: 0.0.44.dev20260713+nightly
codegen_flags: <defaults>
</compile_context>

<pallas_src>
import jax
import jax.numpy as jnp
from jax import lax
from jax.experimental import pallas as pl
from jax.experimental.pallas import tpu as pltpu
from jax.experimental.pallas import tpu_sc as plsc

N = 10000
E = 160000
D = 16
OUT = 16
H = 32

NC = 2
NS = 16
NW = NC * NS
CH = 125
NCHUNK = 20
EPT = CH * NCHUNK
E2 = E // 2
EPK2 = E2 // 8
EP8 = EPT // 8
EPK = E // 8
NROW = 640
NPAD = NROW * NS
NPK = NPAD // 8
DEPTH = 16


def _mesh():
    return plsc.VectorSubcoreMesh(
        core_axis_name="c", subcore_axis_name="s", num_cores=NC, num_subcores=NS)



def _gather_body(x_hbm, src_hbm, xs_hbm, idx_v, rows_v, sem, xsm):
    c = lax.axis_index("c")
    s = lax.axis_index("s")
    w = s * NC + c

    @pl.when(s == 0)
    def _():
        pltpu.sync_copy(x_hbm, xsm)
    pltpu.sync_copy(src_hbm.at[w], idx_v)
    plsc.subcore_barrier()

    def fire(j):
        pltpu.async_copy(xsm.at[idx_v.at[j]],
                         rows_v.at[pl.ds(j * CH, CH)], sem)

    def drain(j):
        pltpu.make_async_copy(xsm.at[idx_v.at[j]],
                              rows_v.at[pl.ds(j * CH, CH)], sem).wait()

    lax.fori_loop(0, DEPTH, lambda j, v: (fire(j), v)[1], 0)

    def steady(j, v):
        @pl.when(j + DEPTH < NCHUNK)
        def _():
            fire(j + DEPTH)
        drain(j)
        return v

    lax.fori_loop(0, NCHUNK, steady, 0)
    pltpu.sync_copy(rows_v, xs_hbm.at[w])


@jax.jit
def _sc_gather(x, src3):
    k = pl.kernel(
        _gather_body,
        out_type=jax.ShapeDtypeStruct((NW, EPT, D), jnp.float32),
        mesh=_mesh(),
        compiler_params=pltpu.CompilerParams(use_tc_tiling_on_sc=False),
        scratch_types=[
            pltpu.VMEM((NCHUNK, CH), jnp.int32),
            pltpu.VMEM((EPT, D), jnp.float32),
            pltpu.SemaphoreType.DMA,
            pltpu.VMEM_SHARED((N, D), jnp.float32),
        ],
    )
    return k(x, src3)



def _scatter_body(msg_hbm, dst_hbm, zeros_hbm, part_hbm, idx_v, msg_v, sem, acc):
    c = lax.axis_index("c")
    s = lax.axis_index("s")
    w = s * NC + c
    pltpu.sync_copy(zeros_hbm, acc.at[pl.ds(s * NROW, NROW)])
    pltpu.sync_copy(dst_hbm.at[w], idx_v)
    pltpu.sync_copy(msg_hbm.at[w], msg_v)
    plsc.subcore_barrier()

    def fire(j):
        pltpu.async_copy(msg_v.at[pl.ds(j * CH, CH)],
                         acc.at[idx_v.at[j]], sem, add=True)

    def drain(j):
        pltpu.make_async_copy(msg_v.at[pl.ds(j * CH, CH)],
                              acc.at[idx_v.at[j]], sem).wait()

    lax.fori_loop(0, DEPTH, lambda j, v: (fire(j), v)[1], 0)

    def steady(j, v):
        @pl.when(j + DEPTH < NCHUNK)
        def _():
            fire(j + DEPTH)
        drain(j)
        return v

    lax.fori_loop(0, NCHUNK, steady, 0)
    plsc.subcore_barrier()
    pltpu.sync_copy(acc.at[pl.ds(s * NROW, NROW)],
                    part_hbm.at[c, pl.ds(s * NROW, NROW)])


@jax.jit
def _sc_scatter(msg, dst3, zeros_slab):
    k = pl.kernel(
        _scatter_body,
        out_type=jax.ShapeDtypeStruct((NC, NPAD, D), jnp.float32),
        mesh=_mesh(),
        compiler_params=pltpu.CompilerParams(use_tc_tiling_on_sc=False),
        scratch_types=[
            pltpu.VMEM((NCHUNK, CH), jnp.int32),
            pltpu.VMEM((EPT, D), jnp.float32),
            pltpu.SemaphoreType.DMA,
            pltpu.VMEM_SHARED((NPAD, D), jnp.float32),
        ],
    )
    return k(msg, dst3, zeros_slab)



BR = 2000


def _edge_body(ea_ref, xs_ref, w1r_ref, s_ref, w2f_ref, msg_ref):
    ea = ea_ref[...].astype(jnp.bfloat16)
    xs = xs_ref[...]
    for e8 in range(8):
        sl = slice(e8 * D, (e8 + 1) * D)
        t8 = jnp.maximum(jnp.dot(ea[:, sl], w1r_ref[...],
                                 preferred_element_type=jnp.float32), 0.0)
        x8 = jnp.tile(xs[:, sl], (1, D))
        u8 = (t8 * x8).astype(jnp.bfloat16)
        msg_ref[:, sl] = jnp.dot(u8, w2f_ref[...],
                                 preferred_element_type=jnp.float32)


def _tc_edge(ea_p, xs_p, w1r, smat, w2f, half):
    nblk = EPK2 // BR
    off = half * nblk
    return pl.pallas_call(
        _edge_body,
        grid=(nblk,),
        in_specs=[
            pl.BlockSpec((BR, 128), lambda i: (off + i, 0)),
            pl.BlockSpec((BR, 128), lambda i: (i, 0)),
            pl.BlockSpec((D, D * OUT), lambda i: (0, 0)),
            pl.BlockSpec((D, D * OUT), lambda i: (0, 0)),
            pl.BlockSpec((D * OUT, OUT), lambda i: (0, 0)),
        ],
        out_specs=pl.BlockSpec((BR, 128), lambda i: (i, 0)),
        out_shape=jax.ShapeDtypeStruct((EPK2, 128), jnp.float32),
    )(ea_p, xs_p, w1r, smat, w2f)



H8 = 8 * H


def _node_body(xp_ref, part_ref, eps_ref, w1_ref, b1_ref, w2_ref, b2_ref,
               mu_ref, g_ref, b_ref, out_ref):
    hf = (1.0 + eps_ref[0]) * (xp_ref[...] + part_ref[0] + part_ref[1]
                               + part_ref[2] + part_ref[3])
    z = jnp.dot(hf, w1_ref[...], preferred_element_type=jnp.float32) + b1_ref[...]
    z = jnp.where(z > 0, z, 0.01 * z)
    z = jnp.dot(z, w2_ref[...], preferred_element_type=jnp.float32) + b2_ref[...]
    mu = jnp.dot(z, mu_ref[...], preferred_element_type=jnp.float32)
    zc = z - mu
    var = jnp.dot(zc * zc, mu_ref[...], preferred_element_type=jnp.float32)
    out_ref[...] = zc * jax.lax.rsqrt(var + 1e-5) * g_ref[...] + b_ref[...]


def _tc_node(xp, part_p, eps, w1blk, b1t, w2blk, b2t, mublk, g8, b8):
    return pl.pallas_call(
        _node_body,
        grid=(1,),
        in_specs=[
            pl.BlockSpec((NPK, 128), lambda i: (0, 0)),
            pl.BlockSpec((2 * NC, NPK, 128), lambda i: (0, 0, 0)),
            pl.BlockSpec((1,), lambda i: (0,)),
            pl.BlockSpec((128, H8), lambda i: (0, 0)),
            pl.BlockSpec((1, H8), lambda i: (0, 0)),
            pl.BlockSpec((H8, H8), lambda i: (0, 0)),
            pl.BlockSpec((1, H8), lambda i: (0, 0)),
            pl.BlockSpec((H8, H8), lambda i: (0, 0)),
            pl.BlockSpec((1, H8), lambda i: (0, 0)),
            pl.BlockSpec((1, H8), lambda i: (0, 0)),
        ],
        out_specs=pl.BlockSpec((NPK, H8), lambda i: (0, 0)),
        out_shape=jax.ShapeDtypeStruct((NPK, H8), jnp.float32),
    )(xp, part_p, eps, w1blk, b1t, w2blk, b2t, mublk, g8, b8)



def kernel(x, edge_index, edge_attr, eps, W_e1, W_e2, mlp_W1, mlp_b1,
           mlp_W2, mlp_b2, ln_g, ln_b):
    ea_p = edge_attr.reshape(EPK, 128)
    src4 = edge_index[0].reshape(2, NW, NCHUNK, CH)
    dst4 = edge_index[1].reshape(2, NW, NCHUNK, CH)

    eye = jnp.eye(D, dtype=jnp.float32)
    eye8 = jnp.eye(8, dtype=jnp.float32)
    rmat = jnp.repeat(eye, D, axis=1)
    smat = jnp.tile(eye, (1, D))
    w1rb = (W_e1 @ rmat).astype(jnp.bfloat16)
    smatb = smat.astype(jnp.bfloat16)
    w2fb = W_e2.reshape(D * D, OUT).astype(jnp.bfloat16)
    zeros_slab = jnp.zeros((NROW, D), jnp.float32)
    nw1blk = jnp.kron(eye8, mlp_W1)
    nw2blk = jnp.kron(eye8, mlp_W2)
    mublk = jnp.kron(eye8, jnp.full((H, H), 1.0 / H, jnp.float32))
    b1t = jnp.tile(mlp_b1, 8).reshape(1, H8)
    b2t = jnp.tile(mlp_b2, 8).reshape(1, H8)
    g8 = jnp.tile(ln_g, 8).reshape(1, H8)
    b8 = jnp.tile(ln_b, 8).reshape(1, H8)
    xp = jnp.concatenate(
        [x.reshape(N * D // 128, 128),
         jnp.zeros((NPK - N * D // 128, 128), jnp.float32)])

    xs0 = _sc_gather(x, src4[0]).reshape(EPK2, 128)
    xs1 = _sc_gather(x, src4[1]).reshape(EPK2, 128)
    msg0 = _tc_edge(ea_p, xs0, w1rb, smatb, w2fb, 0)
    part0 = _sc_scatter(msg0.reshape(NW, EPT, D), dst4[0], zeros_slab)
    msg1 = _tc_edge(ea_p, xs1, w1rb, smatb, w2fb, 1)
    part1 = _sc_scatter(msg1.reshape(NW, EPT, D), dst4[1], zeros_slab)
    part_p = jnp.concatenate([part0, part1]).reshape(2 * NC, NPK, 128)

    out_p = _tc_node(xp, part_p, eps.astype(jnp.float32),
                     nw1blk, b1t, nw2blk, b2t, mublk, g8, b8)
    return out_p.reshape(NPAD, H)[:N]

# --- scband reference (transcript-rebuilt; emitter-appended) ---
"""Pipeline reference for scband-hetero-node-conv-83227876261952 (READ-ONLY COPY).

The authoritative reference and input builder live on the scoring server;
editing this copy changes nothing except your own understanding.
"""

import jax, jax.numpy as jnp
import numpy as np

N = 10000
E = 160000
D = 16      # node_feats
OUT = 16    # out_feats (must equal node_feats for residual fusion)
DE = 16     # edge feature dim
H = 32      # hidden_mlp_dim


def setup_inputs(seed: int = 0) -> dict:
    key = jax.random.key(seed)
    ks = jax.random.split(key, 12)
    x = jax.random.normal(ks[0], (N, D), dtype=jnp.float32)
    edge_index = jax.random.randint(ks[1], (2, E), 0, N, dtype=jnp.int32)
    edge_attr = jax.random.normal(ks[2], (E, DE), dtype=jnp.float32)
    # learned parameters
    eps = jnp.zeros((1,), dtype=jnp.float32)
    W_e1 = jax.random.normal(ks[3], (DE, D), dtype=jnp.float32) * 0.1   # edge_func Linear(DE->D, no bias)
    W_e2 = jax.random.normal(ks[4], (D, D * OUT), dtype=jnp.float32) * 0.1  # edge_func Linear(D->D*OUT, no bias)
    mlp_W1 = jax.random.normal(ks[5], (OUT, H), dtype=jnp.float32) * 0.1
    mlp_b1 = jnp.zeros((H,), dtype=jnp.float32)
    mlp_W2 = jax.random.normal(ks[6], (H, H), dtype=jnp.float32) * 0.1
    mlp_b2 = jnp.zeros((H,), dtype=jnp.float32)
    ln_g = jnp.ones((H,), dtype=jnp.float32)
    ln_b = jnp.zeros((H,), dtype=jnp.float32)
    return {"x": x, "edge_index": edge_index, "edge_attr": edge_attr,
            "eps": eps, "W_e1": W_e1, "W_e2": W_e2,
            "mlp_W1": mlp_W1, "mlp_b1": mlp_b1, "mlp_W2": mlp_W2, "mlp_b2": mlp_b2,
            "ln_g": ln_g, "ln_b": ln_b}


def reference(x, edge_index, edge_attr, eps, W_e1, W_e2, mlp_W1, mlp_b1, mlp_W2, mlp_b2, ln_g, ln_b):
    # h = (1 + eps) * h   (GIN-style epsilon scaling)
    h = (1.0 + eps) * x
    src = edge_index[0]
    dst = edge_index[1]
    # edge_func: Linear(DE->D, no bias) -> ReLU -> Dropout(eval: identity) -> Linear(D->D*OUT, no bias)
    ew = jax.nn.relu(edge_attr @ W_e1) @ W_e2              # [E, D*OUT]
    ew = ew.reshape(-1, D, OUT)                             # [E, D, OUT]
    # NNConv message: m_e = x_src^T W_e  (sum aggregator, no bias)
    x_src = jnp.take(h, src, axis=0)                        # [E, D] gather
    msg = jnp.einsum('ed,edo->eo', x_src, ew)               # [E, OUT]
    h_conv = jax.ops.segment_sum(msg, dst, num_segments=x.shape[0])  # [N, OUT] scatter-add
    # residual fusion
    h_fused = h + h_conv
    # _MLP with 2 layers: Linear -> leaky_relu -> dropout(eval) -> Linear
    z = h_fused @ mlp_W1 + mlp_b1
    z = jax.nn.leaky_relu(z, negative_slope=0.01)
    z = z @ mlp_W2 + mlp_b2
    # LayerNorm(hidden_mlp_dim)
    mu = jnp.mean(z, axis=-1, keepdims=True)
    var = jnp.var(z, axis=-1, keepdims=True)
    out = (z - mu) / jnp.sqrt(var + 1e-5) * ln_g + ln_b
    return out


if False:  # reference __main__ guard neutralized (emitter)
    inp = setup_inputs()
    o = reference(**inp)
    print(o.shape, o.dtype)

if __name__ == "__main__":
    import jax
    _d = setup_inputs()
    print(jax.jit(kernel)(*tuple(_d.values())))

</pallas_src>

<mosaic_0001>
#map = affine_map<(d0, d1) -> (0, 0)>
#map1 = affine_map<(d0, d1) -> (0, 0, 0)>
module attributes {stable_mosaic.version = 14 : i64} {
  func.func @_gather_body(%arg0: i32, %arg1: i32, %arg2: memref<10000x16xf32, #tpu.memory_space<hbm>>, %arg3: memref<32x20x125xi32, #tpu.memory_space<hbm>>, %arg4: memref<32x2500x16xf32, #tpu.memory_space<hbm>>, %arg5: memref<20x125xi32, #tpu.memory_space<vmem>>, %arg6: memref<2500x16xf32, #tpu.memory_space<vmem>>, %arg7: memref<!tpu.dma_semaphore, #tpu.memory_space<semaphore_mem>>, %arg8: memref<10000x16xf32, #tpu.memory_space<vmem_shared>>) attributes {dimension_semantics = [#tpu.dimension_semantics<core_parallel>, #tpu.dimension_semantics<subcore_parallel>], iteration_bounds = array<i64: 2, 16>, scalar_prefetch = 0 : i64, scratch_operands = 4 : i64, tpu.core_type = #tpu.core_type<sc_vector_subcore>, window_params = [{transform_indices = #map}, {transform_indices = #map1}, {transform_indices = #map1}]} {
    %mul3A = arith.constant 2 : i32
    %mul3A_0 = arith.muli %arg1, %mul3A : i32
    %add3A = arith.addi %mul3A_0, %arg0 : i32
    %eq3A = arith.constant 0 : i32
    %eq3A_1 = arith.cmpi eq, %arg1, %eq3A : i32
    %convert_element_type3A = arith.extui %eq3A_1 : i1 to i32
    %cond3A = arith.constant 0 : i32
    %cond3A_2 = arith.cmpi ne, %convert_element_type3A, %cond3A : i32
    scf.if %cond3A_2 {
      "tpu.region"() ({
        %run_scoped3A = tpu.sem_alloc : memref<!tpu.dma_semaphore, #tpu.memory_space<semaphore_mem>>
        tpu.enqueue_dma source(%arg2 : memref<10000x16xf32, #tpu.memory_space<hbm>>) target(%arg8 : memref<10000x16xf32, #tpu.memory_space<vmem_shared>>) target_semaphore(%run_scoped3A : memref<!tpu.dma_semaphore, #tpu.memory_space<semaphore_mem>>)
        tpu.wait_dma2 semaphore(%run_scoped3A : memref<!tpu.dma_semaphore, #tpu.memory_space<semaphore_mem>>) src(%arg2 : memref<10000x16xf32, #tpu.memory_space<hbm>>) dst(%arg8 : memref<10000x16xf32, #tpu.memory_space<vmem_shared>>)
        tpu.yield
      }) : () -> ()
    } else {
    }
    "tpu.region"() ({
      %run_scoped3A = tpu.sem_alloc : memref<!tpu.dma_semaphore, #tpu.memory_space<semaphore_mem>>
      %dma_start3A = arith.constant 0 : i32
      %dma_start3A_14 = arith.constant 0 : i32
      %dma_start3A_15 = tpu.memref_slice %arg3[%add3A, %dma_start3A, %dma_start3A_14] : memref<32x20x125xi32, #tpu.memory_space<hbm>> -> memref<1x20x125xi32, #tpu.memory_space<hbm>>
      %dma_start3A_16 = tpu.memref_squeeze %dma_start3A_15 : memref<1x20x125xi32, #tpu.memory_space<hbm>> -> memref<20x125xi32, #tpu.memory_space<hbm>>
      %dma_start3A_17 = arith.constant 0 : i32
      %dma_start3A_18 = arith.constant 0 : i32
      %dma_start3A_19 = tpu.memref_slice %arg3[%add3A, %dma_start3A_17, %dma_start3A_18] : memref<32x20x125xi32, #tpu.memory_space<hbm>> -> memref<1x20x125xi32, #tpu.memory_space<hbm>>
      %dma_start3A_20 = tpu.memref_squeeze %dma_start3A_19 : memref<1x20x125xi32, #tpu.memory_space<hbm>> -> memref<20x125xi32, #tpu.memory_space<hbm>>
      tpu.enqueue_dma source(%dma_start3A_20 : memref<20x125xi32, #tpu.memory_space<hbm>>) target(%arg5 : memref<20x125xi32, #tpu.memory_space<vmem>>) target_semaphore(%run_scoped3A : memref<!tpu.dma_semaphore, #tpu.memory_space<semaphore_mem>>)
      %dma_wait3A = arith.constant 0 : i32
      %dma_wait3A_21 = arith.constant 0 : i32
      %dma_wait3A_22 = tpu.memref_slice %arg3[%add3A, %dma_wait3A, %dma_wait3A_21] : memref<32x20x125xi32, #tpu.memory_space<hbm>> -> memref<1x20x125xi32, #tpu.memory_space<hbm>>
      %dma_wait3A_23 = tpu.memref_squeeze %dma_wait3A_22 : memref<1x20x125xi32, #tpu.memory_space<hbm>> -> memref<20x125xi32, #tpu.memory_space<hbm>>
      %dma_wait3A_24 = arith.constant 0 : i32
      %dma_wait3A_25 = arith.constant 0 : i32
      %dma_wait3A_26 = tpu.memref_slice %arg3[%add3A, %dma_wait3A_24, %dma_wait3A_25] : memref<32x20x125xi32, #tpu.memory_space<hbm>> -> memref<1x20x125xi32, #tpu.memory_space<hbm>>
      %dma_wait3A_27 = tpu.memref_squeeze %dma_wait3A_26 : memref<1x20x125xi32, #tpu.memory_space<hbm>> -> memref<20x125xi32, #tpu.memory_space<hbm>>
      tpu.wait_dma2 semaphore(%run_scoped3A : memref<!tpu.dma_semaphore, #tpu.memory_space<semaphore_mem>>) src(%dma_wait3A_27 : memref<20x125xi32, #tpu.memory_space<hbm>>) dst(%arg5 : memref<20x125xi32, #tpu.memory_space<vmem>>)
      tpu.yield
    }) : () -> ()
    %barrier3A = arith.constant 0 : index
    tpu.barrier barrier_id(%barrier3A)
    %scan3A = arith.constant 0 : i32
    %scan3A_3 = arith.constant 0 : i32
    %scan3A_4 = arith.constant 16 : i32
    %scan3A_5 = arith.addi %scan3A_3, %scan3A_4 : i32
    %scan3A_6 = arith.constant 1 : i32
    scf.for %scan3A_14 = %scan3A_3 to %scan3A_5 step %scan3A_6  : i32 {
      %mul3A_15 = arith.constant 125 : i32
      %mul3A_16 = arith.muli %scan3A_14, %mul3A_15 : i32
      %dma_start3A = arith.constant 0 : i32
      %dma_start3A_17 = tpu.memref_slice %arg6[%mul3A_16, %dma_start3A] : memref<2500x16xf32, #tpu.memory_space<vmem>> -> memref<125x16xf32, #tpu.memory_space<vmem>>
      %dma_start3A_18 = arith.constant 0 : i32
      %dma_start3A_19 = tpu.memref_slice %arg5[%scan3A_14, %dma_start3A_18] : memref<20x125xi32, #tpu.memory_space<vmem>> -> memref<1x125xi32, #tpu.memory_space<vmem>>
      %dma_start3A_20 = tpu.memref_squeeze %dma_start3A_19 : memref<1x125xi32, #tpu.memory_space<vmem>> -> memref<125xi32, #tpu.memory_space<vmem>>
      %dma_start3A_21 = arith.constant 0 : i32
      %dma_start3A_22 = arith.constant 0 : i32
      %dma_start3A_23 = tpu.memref_slice %arg8[%dma_start3A_21, %dma_start3A_22] : memref<10000x16xf32, #tpu.memory_space<vmem_shared>> -> memref<10000x16xf32, #tpu.memory_space<vmem_shared>>
      tpu.enqueue_indirect_dma source(%dma_start3A_23 : memref<10000x16xf32, #tpu.memory_space<vmem_shared>>) target(%dma_start3A_17 : memref<125x16xf32, #tpu.memory_space<vmem>>) offsets(%dma_start3A_20 : memref<125xi32, #tpu.memory_space<vmem>>) semaphore(%arg7 : memref<!tpu.dma_semaphore, #tpu.memory_space<semaphore_mem>>)
    }
    %scan3A_7 = arith.constant 16 : i32
    %scan3A_8 = arith.constant 0 : i32
    %scan3A_9 = arith.constant 0 : i32
    %scan3A_10 = arith.constant 20 : i32
    %scan3A_11 = arith.addi %scan3A_9, %scan3A_10 : i32
    %scan3A_12 = arith.constant 1 : i32
    scf.for %scan3A_14 = %scan3A_9 to %scan3A_11 step %scan3A_12  : i32 {
      %add3A_15 = arith.constant 16 : i32
      %add3A_16 = arith.addi %scan3A_14, %add3A_15 : i32
      %lt3A = arith.constant 20 : i32
      %lt3A_17 = arith.cmpi slt, %add3A_16, %lt3A : i32
      %convert_element_type3A_18 = arith.extui %lt3A_17 : i1 to i32
      %cond3A_19 = arith.constant 0 : i32
      %cond3A_20 = arith.cmpi ne, %convert_element_type3A_18, %cond3A_19 : i32
      scf.if %cond3A_20 {
        %add3A_30 = arith.constant 16 : i32
        %add3A_31 = arith.addi %scan3A_14, %add3A_30 : i32
        %mul3A_32 = arith.constant 125 : i32
        %mul3A_33 = arith.muli %add3A_31, %mul3A_32 : i32
        %dma_start3A = arith.constant 0 : i32
        %dma_start3A_34 = tpu.memref_slice %arg6[%mul3A_33, %dma_start3A] : memref<2500x16xf32, #tpu.memory_space<vmem>> -> memref<125x16xf32, #tpu.memory_space<vmem>>
        %dma_start3A_35 = arith.constant 0 : i32
        %dma_start3A_36 = tpu.memref_slice %arg5[%add3A_31, %dma_start3A_35] : memref<20x125xi32, #tpu.memory_space<vmem>> -> memref<1x125xi32, #tpu.memory_space<vmem>>
        %dma_start3A_37 = tpu.memref_squeeze %dma_start3A_36 : memref<1x125xi32, #tpu.memory_space<vmem>> -> memref<125xi32, #tpu.memory_space<vmem>>
        %dma_start3A_38 = arith.constant 0 : i32
        %dma_start3A_39 = arith.constant 0 : i32
        %dma_start3A_40 = tpu.memref_slice %arg8[%dma_start3A_38, %dma_start3A_39] : memref<10000x16xf32, #tpu.memory_space<vmem_shared>> -> memref<10000x16xf32, #tpu.memory_space<vmem_shared>>
        tpu.enqueue_indirect_dma source(%dma_start3A_40 : memref<10000x16xf32, #tpu.memory_space<vmem_shared>>) target(%dma_start3A_34 : memref<125x16xf32, #tpu.memory_space<vmem>>) offsets(%dma_start3A_37 : memref<125xi32, #tpu.memory_space<vmem>>) semaphore(%arg7 : memref<!tpu.dma_semaphore, #tpu.memory_space<semaphore_mem>>)
      } else {
      }
      %mul3A_21 = arith.constant 125 : i32
      %mul3A_22 = arith.muli %scan3A_14, %mul3A_21 : i32
      %dma_wait3A = arith.constant 0 : i32
      %dma_wait3A_23 = tpu.memref_slice %arg6[%mul3A_22, %dma_wait3A] : memref<2500x16xf32, #tpu.memory_space<vmem>> -> memref<125x16xf32, #tpu.memory_space<vmem>>
      %dma_wait3A_24 = arith.constant 0 : i32
      %dma_wait3A_25 = tpu.memref_slice %arg5[%scan3A_14, %dma_wait3A_24] : memref<20x125xi32, #tpu.memory_space<vmem>> -> memref<1x125xi32, #tpu.memory_space<vmem>>
      %dma_wait3A_26 = tpu.memref_squeeze %dma_wait3A_25 : memref<1x125xi32, #tpu.memory_space<vmem>> -> memref<125xi32, #tpu.memory_space<vmem>>
      %dma_wait3A_27 = arith.constant 0 : i32
      %dma_wait3A_28 = arith.constant 0 : i32
      %dma_wait3A_29 = tpu.memref_slice %arg8[%dma_wait3A_27, %dma_wait3A_28] : memref<10000x16xf32, #tpu.memory_space<vmem_shared>> -> memref<10000x16xf32, #tpu.memory_space<vmem_shared>>
      tpu.wait_indirect_dma semaphore(%arg7 : memref<!tpu.dma_semaphore, #tpu.memory_space<semaphore_mem>>) src(%dma_wait3A_29 : memref<10000x16xf32, #tpu.memory_space<vmem_shared>>) dst(%dma_wait3A_23 : memref<125x16xf32, #tpu.memory_space<vmem>>)
    }
    %scan3A_13 = arith.constant 20 : i32
    "tpu.region"() ({
      %run_scoped3A = tpu.sem_alloc : memref<!tpu.dma_semaphore, #tpu.memory_space<semaphore_mem>>
      %dma_start3A = arith.constant 0 : i32
      %dma_start3A_14 = arith.constant 0 : i32
      %dma_start3A_15 = tpu.memref_slice %arg4[%add3A, %dma_start3A, %dma_start3A_14] : memref<32x2500x16xf32, #tpu.memory_space<hbm>> -> memref<1x2500x16xf32, #tpu.memory_space<hbm>>
      %dma_start3A_16 = tpu.memref_squeeze %dma_start3A_15 : memref<1x2500x16xf32, #tpu.memory_space<hbm>> -> memref<2500x16xf32, #tpu.memory_space<hbm>>
      %dma_start3A_17 = arith.constant 0 : i32
      %dma_start3A_18 = arith.constant 0 : i32
      %dma_start3A_19 = tpu.memref_slice %arg4[%add3A, %dma_start3A_17, %dma_start3A_18] : memref<32x2500x16xf32, #tpu.memory_space<hbm>> -> memref<1x2500x16xf32, #tpu.memory_space<hbm>>
      %dma_start3A_20 = tpu.memref_squeeze %dma_start3A_19 : memref<1x2500x16xf32, #tpu.memory_space<hbm>> -> memref<2500x16xf32, #tpu.memory_space<hbm>>
      tpu.enqueue_dma source(%arg6 : memref<2500x16xf32, #tpu.memory_space<vmem>>) target(%dma_start3A_20 : memref<2500x16xf32, #tpu.memory_space<hbm>>) target_semaphore(%run_scoped3A : memref<!tpu.dma_semaphore, #tpu.memory_space<semaphore_mem>>)
      %dma_wait3A = arith.constant 0 : i32
      %dma_wait3A_21 = arith.constant 0 : i32
      %dma_wait3A_22 = tpu.memref_slice %arg4[%add3A, %dma_wait3A, %dma_wait3A_21] : memref<32x2500x16xf32, #tpu.memory_space<hbm>> -> memref<1x2500x16xf32, #tpu.memory_space<hbm>>
      %dma_wait3A_23 = tpu.memref_squeeze %dma_wait3A_22 : memref<1x2500x16xf32, #tpu.memory_space<hbm>> -> memref<2500x16xf32, #tpu.memory_space<hbm>>
      %dma_wait3A_24 = arith.constant 0 : i32
      %dma_wait3A_25 = arith.constant 0 : i32
      %dma_wait3A_26 = tpu.memref_slice %arg4[%add3A, %dma_wait3A_24, %dma_wait3A_25] : memref<32x2500x16xf32, #tpu.memory_space<hbm>> -> memref<1x2500x16xf32, #tpu.memory_space<hbm>>
      %dma_wait3A_27 = tpu.memref_squeeze %dma_wait3A_26 : memref<1x2500x16xf32, #tpu.memory_space<hbm>> -> memref<2500x16xf32, #tpu.memory_space<hbm>>
      tpu.wait_dma2 semaphore(%run_scoped3A : memref<!tpu.dma_semaphore, #tpu.memory_space<semaphore_mem>>) src(%arg6 : memref<2500x16xf32, #tpu.memory_space<vmem>>) dst(%dma_wait3A_27 : memref<2500x16xf32, #tpu.memory_space<hbm>>)
      tpu.yield
    }) : () -> ()
    return
  }
}

</mosaic_0001>

<sc_bundles>
// kernel: _sc_gather.3.cloned.1.call-start
scs
__scs_entry_jumppad:
0x0: {  	(pc) =	sbr.rel $0x88, $3  }
0x1: {  	(tag) =	ssettag $0x0;
	lr =	simm.s32 $0x1  }
0x2: {  	[smem:$0x3F9F] =	sst lr;
	_ =	strace $0xD0000000  }
0x3: {  	_ = 	snop  }
0x4: {  	_ = 	snop  }
0x5: {  	_ = 	snop  }
0x6: {  	_ = 	snop  }
0x7: {  	_ = 	snop  }
__scs_overlays_trampoline_lowered:
0x8: {  	[smem:$0x3FAE] =	sst s0  }
0x9: {  	[smem:$0x3FAF] =	sst s1  }
0xa: {  	[smem:$0x3FB0] =	sst s2  }
0xb: {  	[smem:$0x3FB1] =	sst s3  }
0xc: {  	[smem:$0x3FB2] =	sst s4  }
0xd: {  	[smem:$0x3FB3] =	sst s5  }
0xe: {  	[smem:$0x3FB4] =	sst s6  }
0xf: {  	[smem:$0x3FB5] =	sst s7  }
0x10: {  	[smem:$0x3FB6] =	sst s8  }
0x11: {  	[smem:$0x3FB7] =	sst s9;
	s0 =	simm.s32 @!p0 $0x0  }
0x12: {  	s1 =	sld [smem:$0x3F9D];
	s0 =	simm.s32 @p0 $0x1  }
0x13: {  	[smem:$0x3FB8] =	sst s0;
	s0 =	simm.s32 @!p1 $0x0  }
0x14: {  	s2 =	sld [smem:$0x3F9C];
	s0 =	simm.s32 @p1 $0x1  }
0x15: {  	[smem:$0x3FB9] =	sst s0;
	s0 =	simm.s32 @!p2 $0x0  }
0x16: {  	s3 =	sld [smem:$0x3FDB];
	s0 =	simm.s32 @p2 $0x1  }
0x17: {  	s4 =	simm.s32 $0x1BF5;
	[smem:$0x3FBB] =	sst s0  }
0x18: {  	s0 =	sld [smem:$0x3F9E];
	_ =	swait.ge [sflag:s4], $0x0  }
0x19: {  	s7 =	sld [smem:$0x3F9F]  }
0x1a: {  	s8 =	sadd.s32 $0xFFFFE003, lr  }
0x1b: {  	s9 =	sadd.s32 $0xFFFFFEF7, lr;
	s5 =	simm.s32 $0xFFFFFFFF;
	p2 =	slt.u32 s8, $0xFFFFF086  }
0x1c: {  	p1 =	slt.u32 s9, $0xF7A;
	s5 =	simm.s32 @!p2 $0x0  }
0x1d: {  	s5 =	simm.s32 @p1 $0x1;
	p0 =	seq.s32 s7, s2  }
0x1e: {  	s7 =	smul.u32 @!p0 $0xF7A, s2;
	p2 =	seq.s32 @!p0 s5, $0x0  }
0x1f: {  	s9 =	smul.u32 $0xF7A, s1;
	s8 =	simm.s32 @!p0 $0x1BF5;
	p2 =	por !p2, p0  }
0x20: {  	[sflag:s8] =	ssyncset.s32 @!p0 $0xFFFFF086;
	s6 =	sadd.s32 @!p0 s3, s7;
	s7 =	simm.s32 @!p0 $0x108  }
0x21: {  	s3 =	sadd.s32 s3, s9;
	s6 =	sadd.s32 @!p0 $0x88, s6;
	s7 =	simm.s32 @p2 $0x1082  }
0x22: {  	[simem:s7], [sflag:s8] =	dma.local @!p0 [hbm:s6], $0xF7A  }
0x23: {  	s9 =	sor.u32 $0xD0000000, s2;
	s6 =	simm.s32 $0x108;
	_ =	swait.ge @!p0 [sflag:s8], $0x0  }
0x24: {  	s3 =	sadd.s32 $0x88, s3;
	s6 =	simm.s32 @!p1 $0x1082;
	[sflag:s4] =	ssyncset.s32 $0xFFFFF086  }
0x25: {  	[simem:s6], [sflag:s4] =	dma.local [hbm:s3], $0xF7A  }
0x26: {  	[smem:$0x3F9F] =	sst s1;
	(tag) =	ssettag s2;
	_ =	strace s9  }
0x27: {  	s1 =	sld [smem:$0x3FAF]  }
0x28: {  	s2 =	sld [smem:$0x3FB0]  }
0x29: {  	s4 =	sld [smem:$0x3FB2]  }
0x2a: {  	p0 =	seq.s32 s5, $0x0;
	s5 =	sld [smem:$0x3FB3]  }
0x2b: {  	s6 =	sld [smem:$0x3FB4]  }
0x2c: {  	s7 =	sld [smem:$0x3FB5]  }
0x2d: {  	s3 =	simm.s32 $0x108;
	s8 =	sld [smem:$0x3FB6]  }
0x2e: {  	s3 =	simm.s32 @!p0 $0x1082;
	s9 =	sld [smem:$0x3FB7]  }
0x2f: {  	lr =	sadd.s32 s0, s3;
	s0 =	sld [smem:$0x3FAE]  }
0x30: {  	s3 =	sld [smem:$0x3FB1]  }
0x31: {  	[smem:$0x3FBA] =	sst s10  }
0x32: {  	s10 =	sld [smem:$0x3FB8];
	_ =	sdelay $0x3  }
0x33: {  	p0 =	seq.s32 s10, $0x1;
	s10 =	sld [smem:$0x3FBA];
	_ =	sdelay $0x3  }
0x34: {  	[smem:$0x3FBA] =	sst s10  }
0x35: {  	s10 =	sld [smem:$0x3FB9];
	_ =	sdelay $0x3  }
0x36: {  	p1 =	seq.s32 s10, $0x1;
	s10 =	sld [smem:$0x3FBA];
	_ =	sdelay $0x3  }
0x37: {  	[smem:$0x3FBA] =	sst s10  }
0x38: {  	s10 =	sld [smem:$0x3FBB]  }
0x39: {  	_ = 	snop;
	(pc) =	sbr.ind lr, $3  }
0x3a: {  	_ = 	snop  }
0x3b: {  	_ = 	snop  }
0x3c: {  	p2 =	seq.s32 s10, $0x1;
	s10 =	sld [smem:$0x3FBA]  }
0x3d: {  	_ =	shalt  }
0x3e: {  	_ =	shalt  }
0x3f: {  	_ =	shalt  }
0x40: {  	_ =	shalt  }
0x41: {  	_ =	shalt  }
0x42: {  	_ =	shalt  }
0x43: {  	_ =	shalt  }
0x44: {  	_ =	shalt  }
0x45: {  	_ =	shalt  }
0x46: {  	_ =	shalt  }
0x47: {  	_ =	shalt  }
0x48: {  	_ =	shalt  }
0x49: {  	_ =	shalt  }
0x4a: {  	_ =	shalt  }
0x4b: {  	_ =	shalt  }
0x4c: {  	_ =	shalt  }
0x4d: {  	_ =	shalt  }
0x4e: {  	_ =	shalt  }
0x4f: {  	_ =	shalt  }
0x50: {  	_ =	shalt  }
0x51: {  	_ =	shalt  }
0x52: {  	_ =	shalt  }
0x53: {  	_ =	shalt  }
0x54: {  	_ =	shalt  }
0x55: {  	_ =	shalt  }
0x56: {  	_ =	shalt  }
0x57: {  	_ =	shalt  }
0x58: {  	_ =	shalt  }
0x59: {  	_ =	shalt  }
0x5a: {  	_ =	shalt  }
0x5b: {  	_ =	shalt  }
0x5c: {  	_ =	shalt  }
0x5d: {  	_ =	shalt  }
0x5e: {  	_ =	shalt  }
0x5f: {  	_ =	shalt  }
0x60: {  	_ =	shalt  }
0x61: {  	_ =	shalt  }
0x62: {  	_ =	shalt  }
0x63: {  	_ =	shalt  }
0x64: {  	_ =	shalt  }
0x65: {  	_ =	shalt  }
0x66: {  	_ =	shalt  }
0x67: {  	_ =	shalt  }
0x68: {  	_ =	shalt  }
0x69: {  	_ =	shalt  }
0x6a: {  	_ =	shalt  }
0x6b: {  	_ =	shalt  }
0x6c: {  	_ =	shalt  }
0x6d: {  	_ =	shalt  }
0x6e: {  	_ =	shalt  }
0x6f: {  	_ =	shalt  }
0x70: {  	_ =	shalt  }
0x71: {  	_ =	shalt  }
0x72: {  	_ =	shalt  }
0x73: {  	_ =	shalt  }
0x74: {  	_ =	shalt  }
0x75: {  	_ =	shalt  }
0x76: {  	_ =	shalt  }
0x77: {  	_ =	shalt  }
0x78: {  	_ =	shalt  }
0x79: {  	_ =	shalt  }
0x7a: {  	_ =	shalt  }
0x7b: {  	_ =	shalt  }
0x7c: {  	_ =	shalt  }
0x7d: {  	_ =	shalt  }
0x7e: {  	_ =	shalt  }
0x7f: {  	_ =	shalt  }
0x80: {  	_ =	shalt  }
0x81: {  	_ =	shalt  }
0x82: {  	_ =	shalt  }
0x83: {  	_ =	shalt  }
0x84: {  	_ =	shalt  }
0x85: {  	_ =	shalt  }
0x86: {  	_ =	shalt  }
0x87: {  	_ =	shalt  }
.Lfunc_end0:
.L_simem_size_0:
called_computation_lowered:
.L_overlay_start_0:
0x88: {  	s2 =	sld [smem:$0x3FD9]  }
0x89: {  	s3 =	sld [smem:$0x3FFE];
	_ =	sdelay $0x1  }
0x8a: {  	s1 =	srdreg.scid  }
0x8b: {  	s0 =	sand.u32 $0x1, s1  }
0x8c: {  	s17 =	sshll.u32 s0, $0xA;
	s2 =	sadd.s32 s3, s2  }
0x8d: {  	s2 =	sadd.s32 s2, s17  }
0x8e: {  	[smem:$0x3FC6] =	sst s2  }
0x8f: {  	_ = 	snop  }
0x90: {  	s2 =	sld [smem:$0x3FD0];
	(tm) =	ssettm $0x1  }
0x91: {  	s18 =	sld [smem:$0x3FFB];
	_ =	sdelay $0x3  }
0x92: {  	_ =	strace s18  }
0x93: {  	s3 =	sld [smem:$0x3FFC];
	_ =	sdelay $0x3  }
0x94: {  	_ =	strace s3  }
0x95: {  	s3 =	sld [smem:$0x3FFD];
	_ =	sdelay $0x3  }
0x96: {  	_ =	strace s3  }
0x97: {  	_ =	strace $0x8FFFFFFF  }
0x98: {  	s19 =	sld [smem:$0x3FDB];
	_ =	sdelay $0x1  }
0x99: {  	s4 =	simm.s32 $_scs_section_size  }
0x9a: {  	s5 =	simm.s32 $_size__tile_overlayer_lowered;
	s6 =	simm.s32 $_tile_overlayer_lowered  }
0x9b: {  	s22 =	simm.s32 $0x1BFF;
	s21 =	sshll.u32 s6, $0x1;
	s3 =	sadd.s32 s4, s19  }
0x9c: {  	s7 =	simm.s32 $0x0;
	s20 =	sshll.u32 s5, $0x1;
	s5 =	sadd.s32 s21, s3  }
0x9d: {  	[timem:s7], [sflag:s22] =	dma.local [hbm:s5], s20  }
0x9e: {  	_ =	swait.ge [sflag:s22], s20  }
0x9f: {  	s4 =	ssub.s32 $0x0, s20;
	[sflag:s22] =	ssyncset.done $0x0  }
0xa0: {  	[sflag:s22] =	ssyncadd.s32 s4;
	_ =	sdelay $0x1  }
0xa1: {  	s23 =	simm.s32 $0x1B8B  }
0xa2: {  	_ =	swait.ge [sflag:s23], $0x1  }
0xa3: {  	[sflag:s23] =	ssyncset.done $0x0  }
0xa4: {  	s25 =	simm.s32 $0x1B8E;
	s24 =	sld [smem:$0x3FFE];
	[sflag:s23] =	ssyncadd.s32 $0xFFFFFFFF  }
0xa5: {  	s26 =	simm.s32 $execute0_lowered;
	[smem:$0x3FD2] =	sst s25  }
0xa6: {  	s5 =	sshll.u32 s26, $0x1;
	_ =	strace $0x80000046;
	[dreg:$0x1] =	wrdreg $0xFFFFFFFF  }
0xa7: {  	s28 =	simm.s32 $_size_execute0_lowered;
	s3 =	sadd.s32 s3, s5;
	[dreg:$0x0] =	wrdreg $0x0  }
0xa8: {  	s5 =	sshll.u32 s28, $0x1;
	[dreg:$0x2] =	wrdreg s3  }
0xa9: {  	[dreg:$0x3] =	wrdreg s5  }
0xaa: {  	[dreg:$0x4] =	wrdreg $0xC0  }
0xab: {  	_ =	task [dreg:s7], $0x5FFFF  }
0xac: {  	[dreg:$0x1] =	wrdreg $0xFFFFFFFF  }
0xad: {  	[dreg:$0x0] =	wrdreg $0x60  }
0xae: {  	[dreg:$0x2] =	wrdreg s24  }
0xaf: {  	[dreg:$0x3] =	wrdreg s2  }
0xb0: {  	[dreg:$0x4] =	wrdreg $0xA6400  }
0xb1: {  	[dreg:$0x5] =	wrdreg $0x9  }
0xb2: {  	_ =	task.clear_ibuf [dreg:s7], $0x6FFFF;
	_ =	strace $0x90000046  }
0xb3: {  	s29 =	simm.s32 $0x9;
	_ =	strace $0x80000048  }
0xb4: {  	_ =	swait.ge [sflag:s29], $0x1  }
0xb5: {  	[sflag:s29] =	ssyncadd.s32 $0xFFFFFFFF  }
0xb6: {  	_ =	strace $0x90000048  }
0xb7: {  	_ =	sfence  }
0xb8: {  	s30 =	sld [smem:$0x0];
	_ =	sdelay $0x2  }
0xb9: {  	s31 =	sshll.u32 s1, $0xD;
	s1 =	sshrl.u32 s1, $0x2  }
0xba: {  	s3 =	sand.u32 $0x4000, s31;
	s1 =	sadd.s32 s1, s30  }
0xbb: {  	s0 =	sor.u32 s3, s0;
	s1 =	sshll.u32 s1, $0x11  }
0xbc: {  	s0 =	sor.u32 s1, s0  }
0xbd: {  	s0 =	sadd.s32 $0x8F2B, s0  }
0xbe: {  	[sflag:s0] =	ssyncadd.remote.s32 $0x1  }
0xbf: {  	_ =	sfence.sel $0xFFFF  }
0xc0: {  	[dreg:$0x0] =	wrdreg $0xFFFFFFFF;
	(pc) =	sbr.abs _section_cstart, $3  }
0xc1: {  	[dreg:$0x1] =	wrdreg $0xFFFFFFFF  }
0xc2: {  	_ =	task.clear_ibuf [dreg:s7], $0x2FFFF;
	_ =	strace $0x9FFFFFFF  }
0xc3: {  	(tm) =	ssettm $0x7FFFFFFF  }
tec
execute0_lowered:
.L_overlay_start_1:
0x0: {  	(tag) =	ssettag $0x1  }
0x1: {  	s3 =	rddreg [dreg:$0x0]  }
0x2: {  	s4 =	rddreg [dreg:$0x1]  }
0x3: {  	s2 =	rddreg [dreg:$0x2];
	s1 =	simm.s32 $0x0  }
0x4: {  	s0 =	srdreg.scid;
	[smem:$0x7FF] =	sst s1;
	s8 =	sadd.s32 $0x2C00, s3  }
0x5: {  	s24 =	simm.s32 $0x80;
	_ =	strace $0x80000047;
	[dreg:$0x4] =	wrdreg s8  }
0x6: {  	s5 =	stileid.u32;
	s25 =	simm.s32 $0x11D0;
	[dreg:$0x8] =	wrdreg s24  }
0x7: {  	s26 =	simm.s32 $0x100;
	s31 =	sand.u32 $0x1, s0;
	[dreg:$0x9] =	wrdreg s25  }
0x8: {  	s6 =	sshll.u32 s5, $0x1;
	s0 =	simm.s32 $0x19A0;
	[dreg:$0xa] =	wrdreg s26  }
0x9: {  	p0 =	sne.s32 s5, $0x0;
	s5 =	simm.s32 $0x2170;
	[dreg:$0xb] =	wrdreg s0  }
0xa: {  	s9 =	simm.s32 $0x3110;
	[dreg:$0xd] =	wrdreg s5  }
0xb: {  	s10 =	simm.s32 $0x300;
	[dreg:$0x11] =	wrdreg s9  }
0xc: {  	s11 =	simm.s32 $0x38E0;
	[dreg:$0x12] =	wrdreg s10  }
0xd: {  	s12 =	simm.s32 $0x380;
	[dreg:$0x13] =	wrdreg s11  }
0xe: {  	s13 =	simm.s32 $0x40B0;
	[dreg:$0x14] =	wrdreg s12  }
0xf: {  	s14 =	simm.s32 $0x400;
	s6 =	sor.u32 s31, s6;
	[dreg:$0x15] =	wrdreg s13  }
0x10: {  	s15 =	simm.s32 $0x4880;
	[dreg:$0x16] =	wrdreg s14;
	s7 =	smul.u32 $0x140, s6  }
0x11: {  	s16 =	simm.s32 $0x480;
	[dreg:$0x17] =	wrdreg s15;
	s6 =	smul.u32 $0x1388, s6  }
0x12: {  	s8 =	simm.s32 $0x280;
	[dreg:$0x18] =	wrdreg s16  }
0x13: {  	[dreg:$0x10] =	wrdreg s8;
	s23 =	sadd.s32 s4, s6  }
0x14: {  	s4 =	simm.s32 $0x180;
	[dreg:$0x6] =	wrdreg s23  }
0x15: {  	s6 =	simm.s32 $0x200;
	[dreg:$0xc] =	wrdreg s4  }
0x16: {  	s3 =	sadd.s32 s7, s3;
	s7 =	simm.s32 $0x2940;
	[dreg:$0xe] =	wrdreg s6  }
0x17: {  	s3 =	sadd.s32 $0x400, s3;
	[dreg:$0xf] =	wrdreg s7  }
0x18: {  	[dreg:$0x5] =	wrdreg s3;
	s3 =	sshrl.u32 @!p0 s2, $0x3  }
0x19: {  	[dreg:$0x7] =	wrdreg s3  }
0x1a: {  	s3 =	rddreg [dreg:$0x4]  }
0x1b: {  	s0 =	simm.s32 @!p0 $0x1C02;
	s5 =	simm.s32 @!p0 $0x2;
	s6 =	rddreg [dreg:$0x7]  }
0x1c: {  	[spmem:s6], [sflag:s0] =	dma.local @!p0 [hbm:s3], $0x4E20  }
0x1d: {  	_ =	swait.ge @!p0 [sflag:s5], $0x4E20  }
0x1e: {  	[sflag:s5] =	ssyncset.done @!p0 $0x0  }
0x1f: {  	s3 =	simm.s32 $0x2;
	s17 =	rddreg [dreg:$0x5];
	[sflag:s5] =	ssyncadd.s32 @!p0 $0xFFFFB1E0  }
0x20: {  	[tilespmem:s1], [sflag:$0x2] =	stream.linear.gather [hbm4b:s17+s1], $0xA00, $0x38;
	[tilespmem:$0xCD50] =	vst v63  }
0x21: {  	_ =	swait.ge [sflag:s3], $0xA00  }
0x22: {  	[sflag:s3] =	ssyncset.done $0x0  }
0x23: {  	[sflag:s3] =	ssyncadd.s32 $0xFFFFF600  }
0x24: {  	[bflag:$0x0] =	sbarrier.arrive $0xFFFF  }
0x25: {  	s18 =	rddreg [dreg:$0xc]  }
0x26: {  	s7 =	simm.s32 $0x7D;
	s6 =	simm.s32 $0xA00;
	s9 =	rddreg [dreg:$0x9]  }
0x27: {  	[tilespmem:s6], [sflag:$0x1] =	stream.indirect.gather [spmem:s2], $0x10, s1, s7, $0xb8;
	[tilespmem:$0xCD50] =	vst v63  }
0x28: {  	s10 =	rddreg [dreg:$0x11]  }
0x29: {  	s11 =	rddreg [dreg:$0x17]  }
0x2a: {  	s12 =	rddreg [dreg:$0xa]  }
0x2b: {  	s13 =	rddreg [dreg:$0xb]  }
0x2c: {  	s14 =	rddreg [dreg:$0xf]  }
0x2d: {  	s15 =	rddreg [dreg:$0x8]  }
0x2e: {  	s16 =	rddreg [dreg:$0xd]  }
0x2f: {  	[tilespmem:s9], [sflag:$0x1] =	stream.indirect.gather [spmem:s2], $0x10, s15, s7, $0xb8;
	[tilespmem:$0xCD50] =	vst v63  }
0x30: {  	s17 =	rddreg [dreg:$0xe]  }
0x31: {  	[tilespmem:s13], [sflag:$0x1] =	stream.indirect.gather [spmem:s2], $0x10, s12, s7, $0xb8;
	[tilespmem:$0xCD50] =	vst v63  }
0x32: {  	s19 =	rddreg [dreg:$0x10]  }
0x33: {  	[tilespmem:s16], [sflag:$0x1] =	stream.indirect.gather [spmem:s2], $0x10, s18, s7, $0xb8;
	[tilespmem:$0xCD50] =	vst v63  }
0x34: {  	s20 =	rddreg [dreg:$0x15]  }
0x35: {  	[tilespmem:s14], [sflag:$0x1] =	stream.indirect.gather [spmem:s2], $0x10, s17, s7, $0xb8;
	[tilespmem:$0xCD50] =	vst v63  }
0x36: {  	s21 =	rddreg [dreg:$0x13]  }
0x37: {  	[tilespmem:s10], [sflag:$0x1] =	stream.indirect.gather [spmem:s2], $0x10, s19, s7, $0xb8;
	[tilespmem:$0xCD50] =	vst v63  }
0x38: {  	s22 =	rddreg [dreg:$0x12]  }
0x39: {  	[tilespmem:s21], [sflag:$0x1] =	stream.indirect.gather [spmem:s2], $0x10, s22, s7, $0xb8;
	[tilespmem:$0xCD50] =	vst v63  }
0x3a: {  	s23 =	rddreg [dreg:$0x14]  }
0x3b: {  	[tilespmem:s20], [sflag:$0x1] =	stream.indirect.gather [spmem:s2], $0x10, s23, s7, $0xb8;
	[tilespmem:$0xCD50] =	vst v63  }
0x3c: {  	s24 =	rddreg [dreg:$0x16]  }
0x3d: {  	[tilespmem:s11], [sflag:$0x1] =	stream.indirect.gather [spmem:s2], $0x10, s24, s7, $0xb8;
	[tilespmem:$0xCD50] =	vst v63  }
0x3e: {  	s26 =	simm.s32 $0x5050;
	s25 =	rddreg [dreg:$0x18]  }
0x3f: {  	[tilespmem:s26], [sflag:$0x1] =	stream.indirect.gather [spmem:s2], $0x10, s25, s7, $0xb8;
	[tilespmem:$0xCD50] =	vst v63  }
0x40: {  	s8 =	simm.s32 $0x5820;
	s4 =	simm.s32 $0x500  }
0x41: {  	[tilespmem:s8], [sflag:$0x1] =	stream.indirect.gather [spmem:s2], $0x10, s4, s7, $0xb8;
	[tilespmem:$0xCD50] =	vst v63  }
0x42: {  	s9 =	simm.s32 $0x580;
	s10 =	simm.s32 $0x5FF0  }
0x43: {  	[tilespmem:s10], [sflag:$0x1] =	stream.indirect.gather [spmem:s2], $0x10, s9, s7, $0xb8;
	[tilespmem:$0xCD50] =	vst v63  }
0x44: {  	s12 =	simm.s32 $0x67C0;
	s11 =	simm.s32 $0x600  }
0x45: {  	[tilespmem:s12], [sflag:$0x1] =	stream.indirect.gather [spmem:s2], $0x10, s11, s7, $0xb8;
	[tilespmem:$0xCD50] =	vst v63  }
0x46: {  	s13 =	simm.s32 $0x680;
	s14 =	simm.s32 $0x6F90  }
0x47: {  	[tilespmem:s14], [sflag:$0x1] =	stream.indirect.gather [spmem:s2], $0x10, s13, s7, $0xb8;
	[tilespmem:$0xCD50] =	vst v63  }
0x48: {  	s18 =	simm.s32 $0x7760;
	s17 =	simm.s32 $0x700  }
0x49: {  	[tilespmem:s18], [sflag:$0x1] =	stream.indirect.gather [spmem:s2], $0x10, s17, s7, $0xb8;
	[tilespmem:$0xCD50] =	vst v63  }
0x4a: {  	s21 =	simm.s32 $0x7F30;
	s20 =	simm.s32 $0x780  }
0x4b: {  	[tilespmem:s21], [sflag:$0x1] =	stream.indirect.gather [spmem:s2], $0x10, s20, s7, $0xb8;
	[tilespmem:$0xCD50] =	vst v63  }
0x4c: {  	s19 =	simm.s32 $0x1;
	s22 =	simm.s32 $0x800;
	s23 =	simm.s32 $0x8700  }
0x4d: {  	[tilespmem:s23], [sflag:$0x1] =	stream.indirect.gather [spmem:s2], $0x10, s22, s7, $0xb8;
	[tilespmem:$0xCD50] =	vst v63  }
0x4e: {  	_ =	swait.ge [sflag:s19], $0x7D0  }
0x4f: {  	[sflag:s19] =	ssyncset.done $0x0  }
0x50: {  	s24 =	simm.s32 $0x880;
	s25 =	simm.s32 $0x8ED0;
	[sflag:s19] =	ssyncadd.s32 $0xFFFFF830  }
0x51: {  	[tilespmem:s25], [sflag:$0x1] =	stream.indirect.gather [spmem:s2], $0x10, s24, s7, $0xb8;
	[tilespmem:$0xCD50] =	vst v63  }
0x52: {  	_ =	swait.ge [sflag:s19], $0x7D0  }
0x53: {  	[sflag:s19] =	ssyncset.done $0x0  }
0x54: {  	s28 =	simm.s32 $0x96A0;
	s26 =	simm.s32 $0x900;
	[sflag:s19] =	ssyncadd.s32 $0xFFFFF830  }
0x55: {  	[tilespmem:s28], [sflag:$0x1] =	stream.indirect.gather [spmem:s2], $0x10, s26, s7, $0xb8;
	[tilespmem:$0xCD50] =	vst v63  }
0x56: {  	_ =	swait.ge [sflag:s19], $0x7D0  }
0x57: {  	[sflag:s19] =	ssyncset.done $0x0  }
0x58: {  	s29 =	simm.s32 $0x980;
	s30 =	simm.s32 $0x9E70;
	[sflag:s19] =	ssyncadd.s32 $0xFFFFF830  }
0x59: {  	[tilespmem:s30], [sflag:$0x1] =	stream.indirect.gather [spmem:s2], $0x10, s29, s7, $0xb8;
	[tilespmem:$0xCD50] =	vst v63  }
0x5a: {  	_ =	swait.ge [sflag:s19], $0x7D0  }
0x5b: {  	[sflag:s19] =	ssyncset.done $0x0  }
0x5c: {  	[sflag:s19] =	ssyncadd.s32 $0xFFFFF830  }
0x5d: {  	_ =	swait.ge [sflag:s19], $0x7D0  }
0x5e: {  	[sflag:s19] =	ssyncset.done $0x0  }
0x5f: {  	[sflag:s19] =	ssyncadd.s32 $0xFFFFF830  }
0x60: {  	_ =	swait.ge [sflag:s19], $0x7D0  }
0x61: {  	[sflag:s19] =	ssyncset.done $0x0  }
0x62: {  	[sflag:s19] =	ssyncadd.s32 $0xFFFFF830  }
0x63: {  	_ =	swait.ge [sflag:s19], $0x7D0  }
0x64: {  	[sflag:s19] =	ssyncset.done $0x0  }
0x65: {  	[sflag:s19] =	ssyncadd.s32 $0xFFFFF830  }
0x66: {  	_ =	swait.ge [sflag:s19], $0x7D0  }
0x67: {  	[sflag:s19] =	ssyncset.done $0x0  }
0x68: {  	[sflag:s19] =	ssyncadd.s32 $0xFFFFF830  }
0x69: {  	_ =	swait.ge [sflag:s19], $0x7D0  }
0x6a: {  	[sflag:s19] =	ssyncset.done $0x0  }
0x6b: {  	[sflag:s19] =	ssyncadd.s32 $0xFFFFF830  }
0x6c: {  	_ =	swait.ge [sflag:s19], $0x7D0  }
0x6d: {  	[sflag:s19] =	ssyncset.done $0x0  }
0x6e: {  	[sflag:s19] =	ssyncadd.s32 $0xFFFFF830  }
0x6f: {  	_ =	swait.ge [sflag:s19], $0x7D0  }
0x70: {  	[sflag:s19] =	ssyncset.done $0x0  }
0x71: {  	[sflag:s19] =	ssyncadd.s32 $0xFFFFF830  }
0x72: {  	_ =	swait.ge [sflag:s19], $0x7D0  }
0x73: {  	[sflag:s19] =	ssyncset.done $0x0  }
0x74: {  	[sflag:s19] =	ssyncadd.s32 $0xFFFFF830  }
0x75: {  	_ =	swait.ge [sflag:s19], $0x7D0  }
0x76: {  	[sflag:s19] =	ssyncset.done $0x0  }
0x77: {  	[sflag:s19] =	ssyncadd.s32 $0xFFFFF830  }
0x78: {  	_ =	swait.ge [sflag:s19], $0x7D0  }
0x79: {  	[sflag:s19] =	ssyncset.done $0x0  }
0x7a: {  	[sflag:s19] =	ssyncadd.s32 $0xFFFFF830  }
0x7b: {  	_ =	swait.ge [sflag:s19], $0x7D0  }
0x7c: {  	[sflag:s19] =	ssyncset.done $0x0  }
0x7d: {  	s31 =	ssub.s32 $0x2, s31;
	[sflag:s19] =	ssyncadd.s32 $0xFFFFF830  }
0x7e: {  	s15 =	sshrl.u32 s31, $0x1;
	_ =	swait.ge [sflag:s19], $0x7D0  }
0x7f: {  	s0 =	ssub.s32 s31, s15;
	[sflag:s19] =	ssyncset.done $0x0  }
0x80: {  	s0 =	smax.u32 s0, $0x1;
	[sflag:s19] =	ssyncadd.s32 $0xFFFFF830  }
0x81: {  	s31 =	sadd.s32 $0xFFFFFFFF, s0;
	_ =	swait.ge [sflag:s19], $0x7D0  }
0x82: {  	p1 =	sne.s32 s31, $0x0;
	[sflag:s19] =	ssyncset.done $0x0  }
.Ltmp0:
0x83: {  	[sflag:s19] =	ssyncadd.s32 $0xFFFFF830;
	(pc) =	sbr.rel @!p1 .LBB2_2-.Ltmp0, $4  }
0x84: {  	_ =	swait.ge [sflag:s19], $0x7D0  }
0x85: {  	[sflag:s19] =	ssyncset.done $0x0  }
0x86: {  	[sflag:s19] =	ssyncadd.s32 $0xFFFFF830  }
0x87: {  	s16 =	simm.s32 $0x6F90;
	_ =	swait.ge [sflag:s19], $0x7D0  }
.LBB2_1:
0x88: {  	[sflag:s19] =	ssyncset.done $0x0  }
0x89: {  	[sflag:s19] =	ssyncadd.s32 $0xFFFFF830  }
0x8a: {  	_ =	swait.ge [sflag:s19], $0x7D0  }
0x8b: {  	[sflag:s19] =	ssyncset.done $0x0  }
0x8c: {  	s0 =	rddreg [dreg:$0x6];
	[sflag:s19] =	ssyncadd.s32 $0xFFFFF830  }
0x8d: {  	[hbm4b:s0+s1] =	stream.linear.scatter [tilespmem:s6], [sflag:$0x2], $0x9C40, $0x38;
	[tilespmem:$0xCD50] =	vst v63  }
0x8e: {  	_ =	swait.ge [sflag:s3], $0x9C40  }
0x8f: {  	s0 =	rddreg [dreg:$0x4];
	[sflag:s3] =	ssyncset.done $0x0  }
0x90: {  	s8 =	simm.s32 @!p0 $0x1C02;
	s4 =	rddreg [dreg:$0x7];
	[sflag:s3] =	ssyncadd.s32 $0xFFFF63C0  }
0x91: {  	[spmem:s4], [sflag:s8] =	dma.local @!p0 [hbm:s0], $0x4E20  }
0x92: {  	_ =	swait.ge @!p0 [sflag:s5], $0x4E20  }
0x93: {  	[sflag:s5] =	ssyncset.done @!p0 $0x0  }
0x94: {  	s12 =	rddreg [dreg:$0x5];
	[sflag:s5] =	ssyncadd.s32 @!p0 $0xFFFFB1E0  }
0x95: {  	[tilespmem:s1], [sflag:$0x2] =	stream.linear.gather [hbm4b:s12+s1], $0xA00, $0x38;
	[tilespmem:$0xCD50] =	vst v63  }
0x96: {  	_ =	swait.ge [sflag:s3], $0xA00  }
0x97: {  	[sflag:s3] =	ssyncset.done $0x0  }
0x98: {  	[sflag:s3] =	ssyncadd.s32 $0xFFFFF600  }
0x99: {  	[bflag:$0x0] =	sbarrier.arrive $0xFFFF  }
0x9a: {  	s0 =	rddreg [dreg:$0xc]  }
0x9b: {  	s4 =	rddreg [dreg:$0x9]  }
0x9c: {  	[tilespmem:s6], [sflag:$0x1] =	stream.indirect.gather [spmem:s2], $0x10, s1, s7, $0xb8;
	[tilespmem:$0xCD50] =	vst v63  }
0x9d: {  	s8 =	rddreg [dreg:$0x11]  }
0x9e: {  	s9 =	rddreg [dreg:$0x17]  }
0x9f: {  	s10 =	rddreg [dreg:$0xa]  }
0xa0: {  	s11 =	rddreg [dreg:$0xb]  }
0xa1: {  	s12 =	rddreg [dreg:$0xf]  }
0xa2: {  	s13 =	rddreg [dreg:$0x8]  }
0xa3: {  	s14 =	rddreg [dreg:$0xd]  }
0xa4: {  	[tilespmem:s4], [sflag:$0x1] =	stream.indirect.gather [spmem:s2], $0x10, s13, s7, $0xb8;
	[tilespmem:$0xCD50] =	vst v63  }
0xa5: {  	s15 =	rddreg [dreg:$0xe]  }
0xa6: {  	[tilespmem:s11], [sflag:$0x1] =	stream.indirect.gather [spmem:s2], $0x10, s10, s7, $0xb8;
	[tilespmem:$0xCD50] =	vst v63  }
0xa7: {  	s13 =	rddreg [dreg:$0x10]  }
0xa8: {  	[tilespmem:s14], [sflag:$0x1] =	stream.indirect.gather [spmem:s2], $0x10, s0, s7, $0xb8;
	[tilespmem:$0xCD50] =	vst v63  }
0xa9: {  	s10 =	rddreg [dreg:$0x15]  }
0xaa: {  	[tilespmem:s12], [sflag:$0x1] =	stream.indirect.gather [spmem:s2], $0x10, s15, s7, $0xb8;
	[tilespmem:$0xCD50] =	vst v63  }
0xab: {  	s11 =	rddreg [dreg:$0x13]  }
0xac: {  	[tilespmem:s8], [sflag:$0x1] =	stream.indirect.gather [spmem:s2], $0x10, s13, s7, $0xb8;
	[tilespmem:$0xCD50] =	vst v63  }
0xad: {  	s12 =	rddreg [dreg:$0x12]  }
0xae: {  	[tilespmem:s11], [sflag:$0x1] =	stream.indirect.gather [spmem:s2], $0x10, s12, s7, $0xb8;
	[tilespmem:$0xCD50] =	vst v63  }
0xaf: {  	s13 =	rddreg [dreg:$0x14]  }
0xb0: {  	[tilespmem:s10], [sflag:$0x1] =	stream.indirect.gather [spmem:s2], $0x10, s13, s7, $0xb8;
	[tilespmem:$0xCD50] =	vst v63  }
0xb1: {  	s14 =	rddreg [dreg:$0x16]  }
0xb2: {  	[tilespmem:s9], [sflag:$0x1] =	stream.indirect.gather [spmem:s2], $0x10, s14, s7, $0xb8;
	[tilespmem:$0xCD50] =	vst v63  }
0xb3: {  	s15 =	rddreg [dreg:$0x18];
	s8 =	simm.s32 $0x5050  }
0xb4: {  	[tilespmem:s8], [sflag:$0x1] =	stream.indirect.gather [spmem:s2], $0x10, s15, s7, $0xb8;
	[tilespmem:$0xCD50] =	vst v63  }
0xb5: {  	s10 =	simm.s32 $0x5820;
	s9 =	simm.s32 $0x500  }
0xb6: {  	[tilespmem:s10], [sflag:$0x1] =	stream.indirect.gather [spmem:s2], $0x10, s9, s7, $0xb8;
	[tilespmem:$0xCD50] =	vst v63  }
0xb7: {  	s11 =	simm.s32 $0x580;
	s12 =	simm.s32 $0x5FF0  }
0xb8: {  	[tilespmem:s12], [sflag:$0x1] =	stream.indirect.gather [spmem:s2], $0x10, s11, s7, $0xb8;
	[tilespmem:$0xCD50] =	vst v63  }
0xb9: {  	s13 =	simm.s32 $0x600;
	s14 =	simm.s32 $0x67C0  }
0xba: {  	[tilespmem:s14], [sflag:$0x1] =	stream.indirect.gather [spmem:s2], $0x10, s13, s7, $0xb8;
	[tilespmem:$0xCD50] =	vst v63  }
0xbb: {  	s15 =	simm.s32 $0x680  }
0xbc: {  	[tilespmem:s16], [sflag:$0x1] =	stream.indirect.gather [spmem:s2], $0x10, s15, s7, $0xb8;
	[tilespmem:$0xCD50] =	vst v63  }
0xbd: {  	_ = 	snop  }
0xbe: {  	[tilespmem:s18], [sflag:$0x1] =	stream.indirect.gather [spmem:s2], $0x10, s17, s7, $0xb8;
	[tilespmem:$0xCD50] =	vst v63  }
0xbf: {  	_ = 	snop  }
0xc0: {  	[tilespmem:s21], [sflag:$0x1] =	stream.indirect.gather [spmem:s2], $0x10, s20, s7, $0xb8;
	[tilespmem:$0xCD50] =	vst v63  }
0xc1: {  	_ = 	snop  }
0xc2: {  	[tilespmem:s23], [sflag:$0x1] =	stream.indirect.gather [spmem:s2], $0x10, s22, s7, $0xb8;
	[tilespmem:$0xCD50] =	vst v63  }
0xc3: {  	_ =	swait.ge [sflag:s19], $0x7D0  }
0xc4: {  	[sflag:s19] =	ssyncset.done $0x0  }
0xc5: {  	[sflag:s19] =	ssyncadd.s32 $0xFFFFF830  }
0xc6: {  	[tilespmem:s25], [sflag:$0x1] =	stream.indirect.gather [spmem:s2], $0x10, s24, s7, $0xb8;
	[tilespmem:$0xCD50] =	vst v63  }
0xc7: {  	_ =	swait.ge [sflag:s19], $0x7D0  }
0xc8: {  	[sflag:s19] =	ssyncset.done $0x0  }
0xc9: {  	[sflag:s19] =	ssyncadd.s32 $0xFFFFF830  }
0xca: {  	[tilespmem:s28], [sflag:$0x1] =	stream.indirect.gather [spmem:s2], $0x10, s26, s7, $0xb8;
	[tilespmem:$0xCD50] =	vst v63  }
0xcb: {  	_ =	swait.ge [sflag:s19], $0x7D0  }
0xcc: {  	[sflag:s19] =	ssyncset.done $0x0  }
0xcd: {  	[sflag:s19] =	ssyncadd.s32 $0xFFFFF830  }
0xce: {  	[tilespmem:s30], [sflag:$0x1] =	stream.indirect.gather [spmem:s2], $0x10, s29, s7, $0xb8;
	[tilespmem:$0xCD50] =	vst v63  }
0xcf: {  	_ =	swait.ge [sflag:s19], $0x7D0  }
0xd0: {  	[sflag:s19] =	ssyncset.done $0x0  }
0xd1: {  	[sflag:s19] =	ssyncadd.s32 $0xFFFFF830  }
0xd2: {  	_ =	swait.ge [sflag:s19], $0x7D0  }
0xd3: {  	[sflag:s19] =	ssyncset.done $0x0  }
0xd4: {  	[sflag:s19] =	ssyncadd.s32 $0xFFFFF830  }
0xd5: {  	_ =	swait.ge [sflag:s19], $0x7D0  }
0xd6: {  	[sflag:s19] =	ssyncset.done $0x0  }
0xd7: {  	[sflag:s19] =	ssyncadd.s32 $0xFFFFF830  }
0xd8: {  	_ =	swait.ge [sflag:s19], $0x7D0  }
0xd9: {  	[sflag:s19] =	ssyncset.done $0x0  }
0xda: {  	[sflag:s19] =	ssyncadd.s32 $0xFFFFF830  }
0xdb: {  	_ =	swait.ge [sflag:s19], $0x7D0  }
0xdc: {  	[sflag:s19] =	ssyncset.done $0x0  }
0xdd: {  	[sflag:s19] =	ssyncadd.s32 $0xFFFFF830  }
0xde: {  	_ =	swait.ge [sflag:s19], $0x7D0  }
0xdf: {  	[sflag:s19] =	ssyncset.done $0x0  }
0xe0: {  	[sflag:s19] =	ssyncadd.s32 $0xFFFFF830  }
0xe1: {  	_ =	swait.ge [sflag:s19], $0x7D0  }
0xe2: {  	[sflag:s19] =	ssyncset.done $0x0  }
0xe3: {  	[sflag:s19] =	ssyncadd.s32 $0xFFFFF830  }
0xe4: {  	_ =	swait.ge [sflag:s19], $0x7D0  }
0xe5: {  	[sflag:s19] =	ssyncset.done $0x0  }
0xe6: {  	[sflag:s19] =	ssyncadd.s32 $0xFFFFF830  }
0xe7: {  	_ =	swait.ge [sflag:s19], $0x7D0  }
0xe8: {  	[sflag:s19] =	ssyncset.done $0x0  }
0xe9: {  	[sflag:s19] =	ssyncadd.s32 $0xFFFFF830  }
0xea: {  	_ =	swait.ge [sflag:s19], $0x7D0  }
0xeb: {  	[sflag:s19] =	ssyncset.done $0x0  }
0xec: {  	[sflag:s19] =	ssyncadd.s32 $0xFFFFF830  }
0xed: {  	_ =	swait.ge [sflag:s19], $0x7D0  }
0xee: {  	[sflag:s19] =	ssyncset.done $0x0  }
0xef: {  	[sflag:s19] =	ssyncadd.s32 $0xFFFFF830  }
0xf0: {  	_ =	swait.ge [sflag:s19], $0x7D0  }
0xf1: {  	[sflag:s19] =	ssyncset.done $0x0  }
0xf2: {  	[sflag:s19] =	ssyncadd.s32 $0xFFFFF830  }
0xf3: {  	_ =	swait.ge [sflag:s19], $0x7D0  }
0xf4: {  	[sflag:s19] =	ssyncset.done $0x0  }
0xf5: {  	[sflag:s19] =	ssyncadd.s32 $0xFFFFF830  }
0xf6: {  	s31 =	sadd.s32 $0xFFFFFFFF, s31;
	_ =	swait.ge [sflag:s19], $0x7D0  }
0xf7: {  	p1 =	sne.s32 s31, $0x0;
	[sflag:s19] =	ssyncset.done $0x0  }
.Ltmp1:
0xf8: {  	[sflag:s19] =	ssyncadd.s32 $0xFFFFF830;
	(pc) =	sbr.rel @p1 .LBB2_1-.Ltmp1, $4  }
0xf9: {  	_ =	swait.ge [sflag:s19], $0x7D0  }
0xfa: {  	[sflag:s19] =	ssyncset.done $0x0  }
0xfb: {  	[sflag:s19] =	ssyncadd.s32 $0xFFFFF830  }
0xfc: {  	_ =	swait.ge [sflag:s19], $0x7D0  }
.LBB2_2:
0xfd: {  	[sflag:s19] =	ssyncset.done $0x0  }
0xfe: {  	[sflag:s19] =	ssyncadd.s32 $0xFFFFF830  }
0xff: {  	_ =	swait.ge [sflag:s19], $0x7D0  }
0x100: {  	[sflag:s19] =	ssyncset.done $0x0  }
0x101: {  	s0 =	rddreg [dreg:$0x6];
	[sflag:s19] =	ssyncadd.s32 $0xFFFFF830  }
0x102: {  	[hbm4b:s0+s1] =	stream.linear.scatter [tilespmem:s6], [sflag:$0x2], $0x9C40, $0x38;
	[tilespmem:$0xCD50] =	vst v63  }
0x103: {  	_ =	swait.ge [sflag:s3], $0x9C40  }
0x104: {  	[sflag:s3] =	ssyncset.done $0x0  }
0x105: {  	[sflag:s3] =	ssyncadd.s32 $0xFFFF63C0  }
0x106: {  	_ =	sfence.sel $0x180000  }
0x107: {  	[bflag:$0x0] =	sbarrier.arrive $0xFFFF  }
0x108: {  	_ =	strace $0x90000047  }
0x109: {  	[bflag:$0x2] =	sbarrier.arrive $0xFFFF  }
0x10a: {  	s0 =	rddreg [dreg:$0x3]  }
0x10b: {  	s0 =	sadd.s32 @!p0 $0x100000, s0  }
0x10c: {  	[sflag:s0] =	ssyncadd.tile.s32 @!p0 $0x1;
	_ =	shalt  }
.Lfunc_end2:
_tile_overlayer_lowered:
.L_overlay_start_2:
0x10d: {  	(tag) =	ssettag $0x2  }
0x10e: {  	s0 =	rddreg [dreg:$0x0];
	s2 =	stileid.u32  }
0x10f: {  	s1 =	rddreg [dreg:$0x1];
	p0 =	sne.s32 s2, $0x0  }
0x110: {  	s3 =	rddreg [dreg:$0x2];
	[bflag:$0x3] =	sbarrier.arrive $0xFFFF;
	s2 =	simm.s32 @!p0 $0x1C02  }
0x111: {  	[timem:s3], [sflag:s2] =	dma.local @!p0 [hbm:s0], s1  }
0x112: {  	s0 =	simm.s32 @!p0 $0x2  }
0x113: {  	_ =	swait.ge @!p0 [sflag:s0], s1  }
0x114: {  	s1 =	ssub.s32 @!p0 $0x0, s1;
	[sflag:s0] =	ssyncset.done @!p0 $0x0  }
0x115: {  	[sflag:s0] =	ssyncadd.s32 @!p0 s1  }
0x116: {  	[bflag:$0x3] =	sbarrier.arrive $0xFFFF  }
0x117: {  	_ =	shalt  }

</sc_bundles>
